<compile_context>
chip_gen: v7x
topology: tpu7x:2x2x1
jax: 0.10.2.dev20260603
libtpu: 0.0.44.dev20260713+nightly
codegen_flags: <defaults>
</compile_context>

<pallas_src>
import functools

import jax
import jax.numpy as jnp
from jax import lax
from jax.experimental import pallas as pl
from jax.experimental.pallas import tpu as pltpu
from jax.experimental.pallas import tpu_sc as plsc

_LANES_PER_TILE = 128


def kernel(Xnew, mu):
    B, F = Xnew.shape
    V = mu.shape[0]
    info = plsc.get_sparse_core_info()
    NC, NS, L = 1, info.num_subcores, info.num_lanes
    NW = NC * NS
    bpw = B // NW
    T = B // _LANES_PER_TILE
    tpw = T // NW

    mesh = plsc.VectorSubcoreMesh(
        core_axis_name="c", subcore_axis_name="s", num_cores=NC
    )

    @functools.partial(
        pl.kernel,
        mesh=mesh,
        compiler_params=pltpu.CompilerParams(
            needs_layout_passes=False,
            use_tc_tiling_on_sc=False,
            skip_device_barrier=True,
            disable_bounds_checks=True,
            disable_semaphore_checks=True,
        ),
        out_type=[
            jax.ShapeDtypeStruct((B,), jnp.float32),
            jax.ShapeDtypeStruct((B,), jnp.float32),
        ],
        scratch_types=[
            pltpu.VMEM((V,), jnp.float32),
            pltpu.VMEM((tpw, 1, _LANES_PER_TILE), jnp.float32),
            pltpu.VMEM((bpw,), jnp.float32),
            pltpu.VMEM((bpw,), jnp.float32),
            pltpu.SemaphoreType.DMA,
            pltpu.SemaphoreType.DMA,
        ],
    )
    def sc_lookup(y_hbm, mu_hbm, m_hbm, v_hbm, mu_v, col_v, m_v, var_v, s0, s1):
        wid = lax.axis_index("s") * NC + lax.axis_index("c")
        base = wid * bpw
        cp0 = pltpu.async_copy(mu_hbm, mu_v, s0)
        cp1 = pltpu.async_copy(
            y_hbm.at[pl.ds(wid * tpw, tpw), pl.ds(F - 1, 1)], col_v, s1
        )
        cp0.wait()
        cp1.wait()

        def body(tt, carry):
            for c in range(_LANES_PER_TILE // L):
                o = tt * _LANES_PER_TILE + c * L
                catf = col_v[tt, 0, pl.ds(c * L, L)]
                cat = catf.astype(jnp.int32)
                m = plsc.load_gather(mu_v, [cat])
                m_v[pl.ds(o, L)] = m
                var_v[pl.ds(o, L)] = m - m * m
            return carry

        lax.fori_loop(0, tpw, body, 0)

        cp2 = pltpu.async_copy(m_v, m_hbm.at[pl.ds(base, bpw)], s0)
        cp3 = pltpu.async_copy(var_v, v_hbm.at[pl.ds(base, bpw)], s1)
        cp2.wait()
        cp3.wait()

    Y = Xnew.reshape(T, _LANES_PER_TILE, F).transpose(0, 2, 1)
    m, var = sc_lookup(Y, mu)
    return (m.reshape(B, 1), var.reshape(B, 1))

# --- scband reference (transcript-rebuilt; emitter-appended) ---
"""Pipeline reference for scband-constant-categorical-22651657519293 (READ-ONLY COPY).

The authoritative reference and input builder live on the scoring server;
editing this copy changes nothing except your own understanding.
"""

import jax, jax.numpy as jnp
import numpy as np

N_CAT = 1000
BATCH = 16384
FEAT = 8

def setup_inputs(seed: int = 0) -> dict:
    key = jax.random.key(seed)
    k1, k2 = jax.random.split(key)
    # Xnew: float matrix whose LAST column is the integer category id (as float)
    Xnew = jax.random.randint(k1, (BATCH, FEAT), 0, N_CAT).astype(jnp.float32)
    # learned parameter: per-category constant rate mu (gpflow.Parameter), shape [n_categories]
    mu = jax.random.uniform(k2, (N_CAT,), dtype=jnp.float32)
    return {"Xnew": Xnew, "mu": mu}

def reference(Xnew, mu):
    # predict_y: for each row, look up mu of its category; variance = mu - mu^2 (Bernoulli)
    cat = Xnew[:, -1].astype(jnp.int32)
    m = jnp.take(mu, cat, axis=0)[:, None]  # [BATCH, 1], gather == the per-category loop in the original
    var = m - jnp.square(m)
    return (m, var)

if __name__ == "__main__":
    import jax
    _d = setup_inputs()
    print(jax.jit(kernel)(*tuple(_d.values())))

</pallas_src>

<mosaic_0001>
#map = affine_map<(d0, d1) -> (0, 0, 0)>
#map1 = affine_map<(d0, d1) -> (0)>
module attributes {stable_mosaic.version = 14 : i64} {
  func.func @sc_lookup(%arg0: i32, %arg1: i32, %arg2: memref<128x8x128xf32, #tpu.memory_space<hbm>>, %arg3: memref<1000xf32, #tpu.memory_space<hbm>>, %arg4: memref<16384xf32, #tpu.memory_space<hbm>>, %arg5: memref<16384xf32, #tpu.memory_space<hbm>>, %arg6: memref<1000xf32, #tpu.memory_space<vmem>>, %arg7: memref<8x1x128xf32, #tpu.memory_space<vmem>>, %arg8: memref<1024xf32, #tpu.memory_space<vmem>>, %arg9: memref<1024xf32, #tpu.memory_space<vmem>>, %arg10: memref<!tpu.dma_semaphore, #tpu.memory_space<semaphore_mem>>, %arg11: memref<!tpu.dma_semaphore, #tpu.memory_space<semaphore_mem>>) attributes {dimension_semantics = [#tpu.dimension_semantics<core_parallel>, #tpu.dimension_semantics<subcore_parallel>], iteration_bounds = array<i64: 1, 16>, scalar_prefetch = 0 : i64, scratch_operands = 6 : i64, tpu.core_type = #tpu.core_type<sc_vector_subcore>, window_params = [{transform_indices = #map}, {transform_indices = #map1}, {transform_indices = #map1}, {transform_indices = #map1}]} {
    %mul3A = arith.constant 1 : i32
    %mul3A_0 = arith.muli %arg1, %mul3A : i32
    %add3A = arith.addi %mul3A_0, %arg0 : i32
    %mul3A_1 = arith.constant 1024 : i32
    %mul3A_2 = arith.muli %add3A, %mul3A_1 : i32
    tpu.enqueue_dma source(%arg3 : memref<1000xf32, #tpu.memory_space<hbm>>) target(%arg6 : memref<1000xf32, #tpu.memory_space<vmem>>) target_semaphore(%arg10 : memref<!tpu.dma_semaphore, #tpu.memory_space<semaphore_mem>>)
    %mul3A_3 = arith.constant 8 : i32
    %mul3A_4 = arith.muli %add3A, %mul3A_3 : i32
    %dma_start3A = arith.constant 7 : i32
    %dma_start3A_5 = arith.constant 0 : i32
    %dma_start3A_6 = tpu.memref_slice %arg2[%mul3A_4, %dma_start3A, %dma_start3A_5] : memref<128x8x128xf32, #tpu.memory_space<hbm>> -> memref<8x1x128xf32, #tpu.memory_space<hbm>>
    %dma_start3A_7 = arith.constant 7 : i32
    %dma_start3A_8 = arith.constant 0 : i32
    %dma_start3A_9 = tpu.memref_slice %arg2[%mul3A_4, %dma_start3A_7, %dma_start3A_8] : memref<128x8x128xf32, #tpu.memory_space<hbm>> -> memref<8x1x128xf32, #tpu.memory_space<hbm>>
    tpu.enqueue_dma source(%dma_start3A_9 : memref<8x1x128xf32, #tpu.memory_space<hbm>>) target(%arg7 : memref<8x1x128xf32, #tpu.memory_space<vmem>>) target_semaphore(%arg11 : memref<!tpu.dma_semaphore, #tpu.memory_space<semaphore_mem>>)
    tpu.wait_dma2 semaphore(%arg10 : memref<!tpu.dma_semaphore, #tpu.memory_space<semaphore_mem>>) src(%arg3 : memref<1000xf32, #tpu.memory_space<hbm>>) dst(%arg6 : memref<1000xf32, #tpu.memory_space<vmem>>)
    %dma_wait3A = arith.constant 7 : i32
    %dma_wait3A_10 = arith.constant 0 : i32
    %dma_wait3A_11 = tpu.memref_slice %arg2[%mul3A_4, %dma_wait3A, %dma_wait3A_10] : memref<128x8x128xf32, #tpu.memory_space<hbm>> -> memref<8x1x128xf32, #tpu.memory_space<hbm>>
    %dma_wait3A_12 = arith.constant 7 : i32
    %dma_wait3A_13 = arith.constant 0 : i32
    %dma_wait3A_14 = tpu.memref_slice %arg2[%mul3A_4, %dma_wait3A_12, %dma_wait3A_13] : memref<128x8x128xf32, #tpu.memory_space<hbm>> -> memref<8x1x128xf32, #tpu.memory_space<hbm>>
    tpu.wait_dma2 semaphore(%arg11 : memref<!tpu.dma_semaphore, #tpu.memory_space<semaphore_mem>>) src(%dma_wait3A_14 : memref<8x1x128xf32, #tpu.memory_space<hbm>>) dst(%arg7 : memref<8x1x128xf32, #tpu.memory_space<vmem>>)
    %scan3A = arith.constant 0 : i32
    %scan3A_15 = arith.constant 0 : i32
    %scan3A_16 = arith.constant 8 : i32
    %scan3A_17 = arith.addi %scan3A_15, %scan3A_16 : i32
    %scan3A_18 = arith.constant 1 : i32
    scf.for %scan3A_28 = %scan3A_15 to %scan3A_17 step %scan3A_18  : i32 {
      %mul3A_29 = arith.constant 128 : i32
      %mul3A_30 = arith.muli %scan3A_28, %mul3A_29 : i32
      %add3A_31 = arith.constant 0 : i32
      %add3A_32 = arith.addi %mul3A_30, %add3A_31 : i32
      %get3A = arith.constant 0 : i32
      %get3A_33 = arith.index_cast %scan3A_28 : i32 to index
      %get3A_34 = arith.index_cast %get3A : i32 to index
      %get3A_35 = arith.constant 0 : index
      %get3A_36 = tpu.vector_load %arg7[%get3A_33, %get3A_34, %get3A_35] {strides = array<i32>} : memref<8x1x128xf32, #tpu.memory_space<vmem>>, vector<16xf32>,
      %convert_element_type3A = arith.fptosi %get3A_36 : vector<16xf32> to vector<16xi32>
      %gather3A = tpu.vector_load_idx %arg6[%convert_element_type3A] : memref<1000xf32, #tpu.memory_space<vmem>>[vector<16xi32>], vector<16xf32>,
      %swap3A = arith.index_cast %add3A_32 : i32 to index
      %swap3A_37 = tpu.vector_load %arg8[%swap3A] {strides = array<i32>} : memref<1024xf32, #tpu.memory_space<vmem>>, vector<16xf32>,
      tpu.vector_store %arg8[%swap3A], %gather3A {strides = array<i32>} : memref<1024xf32, #tpu.memory_space<vmem>>, vector<16xf32>,
      %mul3A_38 = arith.mulf %gather3A, %gather3A : vector<16xf32>
      %sub3A = arith.subf %gather3A, %mul3A_38 : vector<16xf32>
      %swap3A_39 = arith.index_cast %add3A_32 : i32 to index
      %swap3A_40 = tpu.vector_load %arg9[%swap3A_39] {strides = array<i32>} : memref<1024xf32, #tpu.memory_space<vmem>>, vector<16xf32>,
      tpu.vector_store %arg9[%swap3A_39], %sub3A {strides = array<i32>} : memref<1024xf32, #tpu.memory_space<vmem>>, vector<16xf32>,
      %mul3A_41 = arith.constant 128 : i32
      %mul3A_42 = arith.muli %scan3A_28, %mul3A_41 : i32
      %add3A_43 = arith.constant 16 : i32
      %add3A_44 = arith.addi %mul3A_42, %add3A_43 : i32
      %get3A_45 = arith.constant 0 : i32
      %get3A_46 = arith.index_cast %scan3A_28 : i32 to index
      %get3A_47 = arith.index_cast %get3A_45 : i32 to index
      %get3A_48 = arith.constant 16 : index
      %get3A_49 = tpu.vector_load %arg7[%get3A_46, %get3A_47, %get3A_48] {strides = array<i32>} : memref<8x1x128xf32, #tpu.memory_space<vmem>>, vector<16xf32>,
      %convert_element_type3A_50 = arith.fptosi %get3A_49 : vector<16xf32> to vector<16xi32>
      %gather3A_51 = tpu.vector_load_idx %arg6[%convert_element_type3A_50] : memref<1000xf32, #tpu.memory_space<vmem>>[vector<16xi32>], vector<16xf32>,
      %swap3A_52 = arith.index_cast %add3A_44 : i32 to index
      %swap3A_53 = tpu.vector_load %arg8[%swap3A_52] {strides = array<i32>} : memref<1024xf32, #tpu.memory_space<vmem>>, vector<16xf32>,
      tpu.vector_store %arg8[%swap3A_52], %gather3A_51 {strides = array<i32>} : memref<1024xf32, #tpu.memory_space<vmem>>, vector<16xf32>,
      %mul3A_54 = arith.mulf %gather3A_51, %gather3A_51 : vector<16xf32>
      %sub3A_55 = arith.subf %gather3A_51, %mul3A_54 : vector<16xf32>
      %swap3A_56 = arith.index_cast %add3A_44 : i32 to index
      %swap3A_57 = tpu.vector_load %arg9[%swap3A_56] {strides = array<i32>} : memref<1024xf32, #tpu.memory_space<vmem>>, vector<16xf32>,
      tpu.vector_store %arg9[%swap3A_56], %sub3A_55 {strides = array<i32>} : memref<1024xf32, #tpu.memory_space<vmem>>, vector<16xf32>,
      %mul3A_58 = arith.constant 128 : i32
      %mul3A_59 = arith.muli %scan3A_28, %mul3A_58 : i32
      %add3A_60 = arith.constant 32 : i32
      %add3A_61 = arith.addi %mul3A_59, %add3A_60 : i32
      %get3A_62 = arith.constant 0 : i32
      %get3A_63 = arith.index_cast %scan3A_28 : i32 to index
      %get3A_64 = arith.index_cast %get3A_62 : i32 to index
      %get3A_65 = arith.constant 32 : index
      %get3A_66 = tpu.vector_load %arg7[%get3A_63, %get3A_64, %get3A_65] {strides = array<i32>} : memref<8x1x128xf32, #tpu.memory_space<vmem>>, vector<16xf32>,
      %convert_element_type3A_67 = arith.fptosi %get3A_66 : vector<16xf32> to vector<16xi32>
      %gather3A_68 = tpu.vector_load_idx %arg6[%convert_element_type3A_67] : memref<1000xf32, #tpu.memory_space<vmem>>[vector<16xi32>], vector<16xf32>,
      %swap3A_69 = arith.index_cast %add3A_61 : i32 to index
      %swap3A_70 = tpu.vector_load %arg8[%swap3A_69] {strides = array<i32>} : memref<1024xf32, #tpu.memory_space<vmem>>, vector<16xf32>,
      tpu.vector_store %arg8[%swap3A_69], %gather3A_68 {strides = array<i32>} : memref<1024xf32, #tpu.memory_space<vmem>>, vector<16xf32>,
      %mul3A_71 = arith.mulf %gather3A_68, %gather3A_68 : vector<16xf32>
      %sub3A_72 = arith.subf %gather3A_68, %mul3A_71 : vector<16xf32>
      %swap3A_73 = arith.index_cast %add3A_61 : i32 to index
      %swap3A_74 = tpu.vector_load %arg9[%swap3A_73] {strides = array<i32>} : memref<1024xf32, #tpu.memory_space<vmem>>, vector<16xf32>,
      tpu.vector_store %arg9[%swap3A_73], %sub3A_72 {strides = array<i32>} : memref<1024xf32, #tpu.memory_space<vmem>>, vector<16xf32>,
      %mul3A_75 = arith.constant 128 : i32
      %mul3A_76 = arith.muli %scan3A_28, %mul3A_75 : i32
      %add3A_77 = arith.constant 48 : i32
      %add3A_78 = arith.addi %mul3A_76, %add3A_77 : i32
      %get3A_79 = arith.constant 0 : i32
      %get3A_80 = arith.index_cast %scan3A_28 : i32 to index
      %get3A_81 = arith.index_cast %get3A_79 : i32 to index
      %get3A_82 = arith.constant 48 : index
      %get3A_83 = tpu.vector_load %arg7[%get3A_80, %get3A_81, %get3A_82] {strides = array<i32>} : memref<8x1x128xf32, #tpu.memory_space<vmem>>, vector<16xf32>,
      %convert_element_type3A_84 = arith.fptosi %get3A_83 : vector<16xf32> to vector<16xi32>
      %gather3A_85 = tpu.vector_load_idx %arg6[%convert_element_type3A_84] : memref<1000xf32, #tpu.memory_space<vmem>>[vector<16xi32>], vector<16xf32>,
      %swap3A_86 = arith.index_cast %add3A_78 : i32 to index
      %swap3A_87 = tpu.vector_load %arg8[%swap3A_86] {strides = array<i32>} : memref<1024xf32, #tpu.memory_space<vmem>>, vector<16xf32>,
      tpu.vector_store %arg8[%swap3A_86], %gather3A_85 {strides = array<i32>} : memref<1024xf32, #tpu.memory_space<vmem>>, vector<16xf32>,
      %mul3A_88 = arith.mulf %gather3A_85, %gather3A_85 : vector<16xf32>
      %sub3A_89 = arith.subf %gather3A_85, %mul3A_88 : vector<16xf32>
      %swap3A_90 = arith.index_cast %add3A_78 : i32 to index
      %swap3A_91 = tpu.vector_load %arg9[%swap3A_90] {strides = array<i32>} : memref<1024xf32, #tpu.memory_space<vmem>>, vector<16xf32>,
      tpu.vector_store %arg9[%swap3A_90], %sub3A_89 {strides = array<i32>} : memref<1024xf32, #tpu.memory_space<vmem>>, vector<16xf32>,
      %mul3A_92 = arith.constant 128 : i32
      %mul3A_93 = arith.muli %scan3A_28, %mul3A_92 : i32
      %add3A_94 = arith.constant 64 : i32
      %add3A_95 = arith.addi %mul3A_93, %add3A_94 : i32
      %get3A_96 = arith.constant 0 : i32
      %get3A_97 = arith.index_cast %scan3A_28 : i32 to index
      %get3A_98 = arith.index_cast %get3A_96 : i32 to index
      %get3A_99 = arith.constant 64 : index
      %get3A_100 = tpu.vector_load %arg7[%get3A_97, %get3A_98, %get3A_99] {strides = array<i32>} : memref<8x1x128xf32, #tpu.memory_space<vmem>>, vector<16xf32>,
      %convert_element_type3A_101 = arith.fptosi %get3A_100 : vector<16xf32> to vector<16xi32>
      %gather3A_102 = tpu.vector_load_idx %arg6[%convert_element_type3A_101] : memref<1000xf32, #tpu.memory_space<vmem>>[vector<16xi32>], vector<16xf32>,
      %swap3A_103 = arith.index_cast %add3A_95 : i32 to index
      %swap3A_104 = tpu.vector_load %arg8[%swap3A_103] {strides = array<i32>} : memref<1024xf32, #tpu.memory_space<vmem>>, vector<16xf32>,
      tpu.vector_store %arg8[%swap3A_103], %gather3A_102 {strides = array<i32>} : memref<1024xf32, #tpu.memory_space<vmem>>, vector<16xf32>,
      %mul3A_105 = arith.mulf %gather3A_102, %gather3A_102 : vector<16xf32>
      %sub3A_106 = arith.subf %gather3A_102, %mul3A_105 : vector<16xf32>
      %swap3A_107 = arith.index_cast %add3A_95 : i32 to index
      %swap3A_108 = tpu.vector_load %arg9[%swap3A_107] {strides = array<i32>} : memref<1024xf32, #tpu.memory_space<vmem>>, vector<16xf32>,
      tpu.vector_store %arg9[%swap3A_107], %sub3A_106 {strides = array<i32>} : memref<1024xf32, #tpu.memory_space<vmem>>, vector<16xf32>,
      %mul3A_109 = arith.constant 128 : i32
      %mul3A_110 = arith.muli %scan3A_28, %mul3A_109 : i32
      %add3A_111 = arith.constant 80 : i32
      %add3A_112 = arith.addi %mul3A_110, %add3A_111 : i32
      %get3A_113 = arith.constant 0 : i32
      %get3A_114 = arith.index_cast %scan3A_28 : i32 to index
      %get3A_115 = arith.index_cast %get3A_113 : i32 to index
      %get3A_116 = arith.constant 80 : index
      %get3A_117 = tpu.vector_load %arg7[%get3A_114, %get3A_115, %get3A_116] {strides = array<i32>} : memref<8x1x128xf32, #tpu.memory_space<vmem>>, vector<16xf32>,
      %convert_element_type3A_118 = arith.fptosi %get3A_117 : vector<16xf32> to vector<16xi32>
      %gather3A_119 = tpu.vector_load_idx %arg6[%convert_element_type3A_118] : memref<1000xf32, #tpu.memory_space<vmem>>[vector<16xi32>], vector<16xf32>,
      %swap3A_120 = arith.index_cast %add3A_112 : i32 to index
      %swap3A_121 = tpu.vector_load %arg8[%swap3A_120] {strides = array<i32>} : memref<1024xf32, #tpu.memory_space<vmem>>, vector<16xf32>,
      tpu.vector_store %arg8[%swap3A_120], %gather3A_119 {strides = array<i32>} : memref<1024xf32, #tpu.memory_space<vmem>>, vector<16xf32>,
      %mul3A_122 = arith.mulf %gather3A_119, %gather3A_119 : vector<16xf32>
      %sub3A_123 = arith.subf %gather3A_119, %mul3A_122 : vector<16xf32>
      %swap3A_124 = arith.index_cast %add3A_112 : i32 to index
      %swap3A_125 = tpu.vector_load %arg9[%swap3A_124] {strides = array<i32>} : memref<1024xf32, #tpu.memory_space<vmem>>, vector<16xf32>,
      tpu.vector_store %arg9[%swap3A_124], %sub3A_123 {strides = array<i32>} : memref<1024xf32, #tpu.memory_space<vmem>>, vector<16xf32>,
      %mul3A_126 = arith.constant 128 : i32
      %mul3A_127 = arith.muli %scan3A_28, %mul3A_126 : i32
      %add3A_128 = arith.constant 96 : i32
      %add3A_129 = arith.addi %mul3A_127, %add3A_128 : i32
      %get3A_130 = arith.constant 0 : i32
      %get3A_131 = arith.index_cast %scan3A_28 : i32 to index
      %get3A_132 = arith.index_cast %get3A_130 : i32 to index
      %get3A_133 = arith.constant 96 : index
      %get3A_134 = tpu.vector_load %arg7[%get3A_131, %get3A_132, %get3A_133] {strides = array<i32>} : memref<8x1x128xf32, #tpu.memory_space<vmem>>, vector<16xf32>,
      %convert_element_type3A_135 = arith.fptosi %get3A_134 : vector<16xf32> to vector<16xi32>
      %gather3A_136 = tpu.vector_load_idx %arg6[%convert_element_type3A_135] : memref<1000xf32, #tpu.memory_space<vmem>>[vector<16xi32>], vector<16xf32>,
      %swap3A_137 = arith.index_cast %add3A_129 : i32 to index
      %swap3A_138 = tpu.vector_load %arg8[%swap3A_137] {strides = array<i32>} : memref<1024xf32, #tpu.memory_space<vmem>>, vector<16xf32>,
      tpu.vector_store %arg8[%swap3A_137], %gather3A_136 {strides = array<i32>} : memref<1024xf32, #tpu.memory_space<vmem>>, vector<16xf32>,
      %mul3A_139 = arith.mulf %gather3A_136, %gather3A_136 : vector<16xf32>
      %sub3A_140 = arith.subf %gather3A_136, %mul3A_139 : vector<16xf32>
      %swap3A_141 = arith.index_cast %add3A_129 : i32 to index
      %swap3A_142 = tpu.vector_load %arg9[%swap3A_141] {strides = array<i32>} : memref<1024xf32, #tpu.memory_space<vmem>>, vector<16xf32>,
      tpu.vector_store %arg9[%swap3A_141], %sub3A_140 {strides = array<i32>} : memref<1024xf32, #tpu.memory_space<vmem>>, vector<16xf32>,
      %mul3A_143 = arith.constant 128 : i32
      %mul3A_144 = arith.muli %scan3A_28, %mul3A_143 : i32
      %add3A_145 = arith.constant 112 : i32
      %add3A_146 = arith.addi %mul3A_144, %add3A_145 : i32
      %get3A_147 = arith.constant 0 : i32
      %get3A_148 = arith.index_cast %scan3A_28 : i32 to index
      %get3A_149 = arith.index_cast %get3A_147 : i32 to index
      %get3A_150 = arith.constant 112 : index
      %get3A_151 = tpu.vector_load %arg7[%get3A_148, %get3A_149, %get3A_150] {strides = array<i32>} : memref<8x1x128xf32, #tpu.memory_space<vmem>>, vector<16xf32>,
      %convert_element_type3A_152 = arith.fptosi %get3A_151 : vector<16xf32> to vector<16xi32>
      %gather3A_153 = tpu.vector_load_idx %arg6[%convert_element_type3A_152] : memref<1000xf32, #tpu.memory_space<vmem>>[vector<16xi32>], vector<16xf32>,
      %swap3A_154 = arith.index_cast %add3A_146 : i32 to index
      %swap3A_155 = tpu.vector_load %arg8[%swap3A_154] {strides = array<i32>} : memref<1024xf32, #tpu.memory_space<vmem>>, vector<16xf32>,
      tpu.vector_store %arg8[%swap3A_154], %gather3A_153 {strides = array<i32>} : memref<1024xf32, #tpu.memory_space<vmem>>, vector<16xf32>,
      %mul3A_156 = arith.mulf %gather3A_153, %gather3A_153 : vector<16xf32>
      %sub3A_157 = arith.subf %gather3A_153, %mul3A_156 : vector<16xf32>
      %swap3A_158 = arith.index_cast %add3A_146 : i32 to index
      %swap3A_159 = tpu.vector_load %arg9[%swap3A_158] {strides = array<i32>} : memref<1024xf32, #tpu.memory_space<vmem>>, vector<16xf32>,
      tpu.vector_store %arg9[%swap3A_158], %sub3A_157 {strides = array<i32>} : memref<1024xf32, #tpu.memory_space<vmem>>, vector<16xf32>,
    }
    %scan3A_19 = arith.constant 8 : i32
    %dma_start3A_20 = tpu.memref_slice %arg4[%mul3A_2] : memref<16384xf32, #tpu.memory_space<hbm>> -> memref<1024xf32, #tpu.memory_space<hbm>>
    %dma_start3A_21 = tpu.memref_slice %arg4[%mul3A_2] : memref<16384xf32, #tpu.memory_space<hbm>> -> memref<1024xf32, #tpu.memory_space<hbm>>
    tpu.enqueue_dma source(%arg8 : memref<1024xf32, #tpu.memory_space<vmem>>) target(%dma_start3A_21 : memref<1024xf32, #tpu.memory_space<hbm>>) target_semaphore(%arg10 : memref<!tpu.dma_semaphore, #tpu.memory_space<semaphore_mem>>)
    %dma_start3A_22 = tpu.memref_slice %arg5[%mul3A_2] : memref<16384xf32, #tpu.memory_space<hbm>> -> memref<1024xf32, #tpu.memory_space<hbm>>
    %dma_start3A_23 = tpu.memref_slice %arg5[%mul3A_2] : memref<16384xf32, #tpu.memory_space<hbm>> -> memref<1024xf32, #tpu.memory_space<hbm>>
    tpu.enqueue_dma source(%arg9 : memref<1024xf32, #tpu.memory_space<vmem>>) target(%dma_start3A_23 : memref<1024xf32, #tpu.memory_space<hbm>>) target_semaphore(%arg11 : memref<!tpu.dma_semaphore, #tpu.memory_space<semaphore_mem>>)
    %dma_wait3A_24 = tpu.memref_slice %arg4[%mul3A_2] : memref<16384xf32, #tpu.memory_space<hbm>> -> memref<1024xf32, #tpu.memory_space<hbm>>
    %dma_wait3A_25 = tpu.memref_slice %arg4[%mul3A_2] : memref<16384xf32, #tpu.memory_space<hbm>> -> memref<1024xf32, #tpu.memory_space<hbm>>
    tpu.wait_dma2 semaphore(%arg10 : memref<!tpu.dma_semaphore, #tpu.memory_space<semaphore_mem>>) src(%arg8 : memref<1024xf32, #tpu.memory_space<vmem>>) dst(%dma_wait3A_25 : memref<1024xf32, #tpu.memory_space<hbm>>)
    %dma_wait3A_26 = tpu.memref_slice %arg5[%mul3A_2] : memref<16384xf32, #tpu.memory_space<hbm>> -> memref<1024xf32, #tpu.memory_space<hbm>>
    %dma_wait3A_27 = tpu.memref_slice %arg5[%mul3A_2] : memref<16384xf32, #tpu.memory_space<hbm>> -> memref<1024xf32, #tpu.memory_space<hbm>>
    tpu.wait_dma2 semaphore(%arg11 : memref<!tpu.dma_semaphore, #tpu.memory_space<semaphore_mem>>) src(%arg9 : memref<1024xf32, #tpu.memory_space<vmem>>) dst(%dma_wait3A_27 : memref<1024xf32, #tpu.memory_space<hbm>>)
    return
  }
}

</mosaic_0001>

<sc_bundles>
// kernel: kernel.3.cloned.1.call-start
scs
__scs_entry_jumppad:
0x0: {  	(pc) =	sbr.rel $0x88, $3  }
0x1: {  	(tag) =	ssettag $0x0;
	lr =	simm.s32 $0x1  }
0x2: {  	[smem:$0x3F9F] =	sst lr;
	_ =	strace $0xD0000000  }
0x3: {  	_ = 	snop  }
0x4: {  	_ = 	snop  }
0x5: {  	_ = 	snop  }
0x6: {  	_ = 	snop  }
0x7: {  	_ = 	snop  }
__scs_overlays_trampoline_lowered:
0x8: {  	[smem:$0x3FAE] =	sst s0  }
0x9: {  	[smem:$0x3FAF] =	sst s1  }
0xa: {  	[smem:$0x3FB0] =	sst s2  }
0xb: {  	[smem:$0x3FB1] =	sst s3  }
0xc: {  	[smem:$0x3FB2] =	sst s4  }
0xd: {  	[smem:$0x3FB3] =	sst s5  }
0xe: {  	[smem:$0x3FB4] =	sst s6  }
0xf: {  	[smem:$0x3FB5] =	sst s7  }
0x10: {  	[smem:$0x3FB6] =	sst s8  }
0x11: {  	[smem:$0x3FB7] =	sst s9;
	s0 =	simm.s32 @!p0 $0x0  }
0x12: {  	s1 =	sld [smem:$0x3F9D];
	s0 =	simm.s32 @p0 $0x1  }
0x13: {  	[smem:$0x3FB8] =	sst s0;
	s0 =	simm.s32 @!p1 $0x0  }
0x14: {  	s2 =	sld [smem:$0x3F9C];
	s0 =	simm.s32 @p1 $0x1  }
0x15: {  	[smem:$0x3FB9] =	sst s0;
	s0 =	simm.s32 @!p2 $0x0  }
0x16: {  	s3 =	sld [smem:$0x3FDB];
	s0 =	simm.s32 @p2 $0x1  }
0x17: {  	s4 =	simm.s32 $0x1BF5;
	[smem:$0x3FBB] =	sst s0  }
0x18: {  	s0 =	sld [smem:$0x3F9E];
	_ =	swait.ge [sflag:s4], $0x0  }
0x19: {  	s7 =	sld [smem:$0x3F9F]  }
0x1a: {  	s8 =	sadd.s32 $0xFFFFE003, lr  }
0x1b: {  	s9 =	sadd.s32 $0xFFFFFEF7, lr;
	s5 =	simm.s32 $0xFFFFFFFF;
	p2 =	slt.u32 s8, $0xFFFFF086  }
0x1c: {  	p1 =	slt.u32 s9, $0xF7A;
	s5 =	simm.s32 @!p2 $0x0  }
0x1d: {  	s5 =	simm.s32 @p1 $0x1;
	p0 =	seq.s32 s7, s2  }
0x1e: {  	s7 =	smul.u32 @!p0 $0xF7A, s2;
	p2 =	seq.s32 @!p0 s5, $0x0  }
0x1f: {  	s9 =	smul.u32 $0xF7A, s1;
	s8 =	simm.s32 @!p0 $0x1BF5;
	p2 =	por !p2, p0  }
0x20: {  	[sflag:s8] =	ssyncset.s32 @!p0 $0xFFFFF086;
	s6 =	sadd.s32 @!p0 s3, s7;
	s7 =	simm.s32 @!p0 $0x108  }
0x21: {  	s3 =	sadd.s32 s3, s9;
	s6 =	sadd.s32 @!p0 $0x88, s6;
	s7 =	simm.s32 @p2 $0x1082  }
0x22: {  	[simem:s7], [sflag:s8] =	dma.local @!p0 [hbm:s6], $0xF7A  }
0x23: {  	s9 =	sor.u32 $0xD0000000, s2;
	s6 =	simm.s32 $0x108;
	_ =	swait.ge @!p0 [sflag:s8], $0x0  }
0x24: {  	s3 =	sadd.s32 $0x88, s3;
	s6 =	simm.s32 @!p1 $0x1082;
	[sflag:s4] =	ssyncset.s32 $0xFFFFF086  }
0x25: {  	[simem:s6], [sflag:s4] =	dma.local [hbm:s3], $0xF7A  }
0x26: {  	[smem:$0x3F9F] =	sst s1;
	(tag) =	ssettag s2;
	_ =	strace s9  }
0x27: {  	s1 =	sld [smem:$0x3FAF]  }
0x28: {  	s2 =	sld [smem:$0x3FB0]  }
0x29: {  	s4 =	sld [smem:$0x3FB2]  }
0x2a: {  	p0 =	seq.s32 s5, $0x0;
	s5 =	sld [smem:$0x3FB3]  }
0x2b: {  	s6 =	sld [smem:$0x3FB4]  }
0x2c: {  	s7 =	sld [smem:$0x3FB5]  }
0x2d: {  	s3 =	simm.s32 $0x108;
	s8 =	sld [smem:$0x3FB6]  }
0x2e: {  	s3 =	simm.s32 @!p0 $0x1082;
	s9 =	sld [smem:$0x3FB7]  }
0x2f: {  	lr =	sadd.s32 s0, s3;
	s0 =	sld [smem:$0x3FAE]  }
0x30: {  	s3 =	sld [smem:$0x3FB1]  }
0x31: {  	[smem:$0x3FBA] =	sst s10  }
0x32: {  	s10 =	sld [smem:$0x3FB8];
	_ =	sdelay $0x3  }
0x33: {  	p0 =	seq.s32 s10, $0x1;
	s10 =	sld [smem:$0x3FBA];
	_ =	sdelay $0x3  }
0x34: {  	[smem:$0x3FBA] =	sst s10  }
0x35: {  	s10 =	sld [smem:$0x3FB9];
	_ =	sdelay $0x3  }
0x36: {  	p1 =	seq.s32 s10, $0x1;
	s10 =	sld [smem:$0x3FBA];
	_ =	sdelay $0x3  }
0x37: {  	[smem:$0x3FBA] =	sst s10  }
0x38: {  	s10 =	sld [smem:$0x3FBB]  }
0x39: {  	_ = 	snop;
	(pc) =	sbr.ind lr, $3  }
0x3a: {  	_ = 	snop  }
0x3b: {  	_ = 	snop  }
0x3c: {  	p2 =	seq.s32 s10, $0x1;
	s10 =	sld [smem:$0x3FBA]  }
0x3d: {  	_ =	shalt  }
0x3e: {  	_ =	shalt  }
0x3f: {  	_ =	shalt  }
0x40: {  	_ =	shalt  }
0x41: {  	_ =	shalt  }
0x42: {  	_ =	shalt  }
0x43: {  	_ =	shalt  }
0x44: {  	_ =	shalt  }
0x45: {  	_ =	shalt  }
0x46: {  	_ =	shalt  }
0x47: {  	_ =	shalt  }
0x48: {  	_ =	shalt  }
0x49: {  	_ =	shalt  }
0x4a: {  	_ =	shalt  }
0x4b: {  	_ =	shalt  }
0x4c: {  	_ =	shalt  }
0x4d: {  	_ =	shalt  }
0x4e: {  	_ =	shalt  }
0x4f: {  	_ =	shalt  }
0x50: {  	_ =	shalt  }
0x51: {  	_ =	shalt  }
0x52: {  	_ =	shalt  }
0x53: {  	_ =	shalt  }
0x54: {  	_ =	shalt  }
0x55: {  	_ =	shalt  }
0x56: {  	_ =	shalt  }
0x57: {  	_ =	shalt  }
0x58: {  	_ =	shalt  }
0x59: {  	_ =	shalt  }
0x5a: {  	_ =	shalt  }
0x5b: {  	_ =	shalt  }
0x5c: {  	_ =	shalt  }
0x5d: {  	_ =	shalt  }
0x5e: {  	_ =	shalt  }
0x5f: {  	_ =	shalt  }
0x60: {  	_ =	shalt  }
0x61: {  	_ =	shalt  }
0x62: {  	_ =	shalt  }
0x63: {  	_ =	shalt  }
0x64: {  	_ =	shalt  }
0x65: {  	_ =	shalt  }
0x66: {  	_ =	shalt  }
0x67: {  	_ =	shalt  }
0x68: {  	_ =	shalt  }
0x69: {  	_ =	shalt  }
0x6a: {  	_ =	shalt  }
0x6b: {  	_ =	shalt  }
0x6c: {  	_ =	shalt  }
0x6d: {  	_ =	shalt  }
0x6e: {  	_ =	shalt  }
0x6f: {  	_ =	shalt  }
0x70: {  	_ =	shalt  }
0x71: {  	_ =	shalt  }
0x72: {  	_ =	shalt  }
0x73: {  	_ =	shalt  }
0x74: {  	_ =	shalt  }
0x75: {  	_ =	shalt  }
0x76: {  	_ =	shalt  }
0x77: {  	_ =	shalt  }
0x78: {  	_ =	shalt  }
0x79: {  	_ =	shalt  }
0x7a: {  	_ =	shalt  }
0x7b: {  	_ =	shalt  }
0x7c: {  	_ =	shalt  }
0x7d: {  	_ =	shalt  }
0x7e: {  	_ =	shalt  }
0x7f: {  	_ =	shalt  }
0x80: {  	_ =	shalt  }
0x81: {  	_ =	shalt  }
0x82: {  	_ =	shalt  }
0x83: {  	_ =	shalt  }
0x84: {  	_ =	shalt  }
0x85: {  	_ =	shalt  }
0x86: {  	_ =	shalt  }
0x87: {  	_ =	shalt  }
.Lfunc_end0:
.L_simem_size_0:
called_computation_lowered:
.L_overlay_start_0:
0x88: {  	s0 =	sld [smem:$0x3FD9]  }
0x89: {  	s1 =	sld [smem:$0x3FFE];
	_ =	sdelay $0x3  }
0x8a: {  	s0 =	sadd.s32 s1, s0  }
0x8b: {  	[smem:$0x3FC6] =	sst s0  }
0x8c: {  	_ = 	snop  }
0x8d: {  	s0 =	sld [smem:$0x3FD0];
	_ =	sdelay $0x1  }
0x8e: {  	s14 =	sld [smem:$0x3FC9]  }
0x8f: {  	s3 =	simm.s32 $0xA;
	s4 =	simm.s32 $0x10;
	s2 =	sld [smem:$0x3FC8]  }
0x90: {  	[smem:s4], [sflag:s3] =	dma.local [hbm:s0], $0x1  }
0x91: {  	_ =	swait.eq [sflag:s3], $0x1  }
0x92: {  	[sflag:s3] =	ssyncset.done $0x0  }
0x93: {  	s15 =	sld [smem:$0x10];
	[sflag:s3] =	ssyncadd.s32 $0xFFFFFFFF  }
0x94: {  	s16 =	sld [smem:$0x11];
	(tm) =	ssettm $0x1  }
0x95: {  	s17 =	sld [smem:$0x3FFB];
	_ =	sdelay $0x3  }
0x96: {  	_ =	strace s17  }
0x97: {  	s4 =	sld [smem:$0x3FFC];
	_ =	sdelay $0x3  }
0x98: {  	_ =	strace s4  }
0x99: {  	s4 =	sld [smem:$0x3FFD];
	_ =	sdelay $0x3  }
0x9a: {  	_ =	strace s4  }
0x9b: {  	_ =	strace $0x8FFFFFFF  }
0x9c: {  	s18 =	sld [smem:$0x3FDB];
	_ =	sdelay $0x1  }
0x9d: {  	s5 =	simm.s32 $_scs_section_size  }
0x9e: {  	s6 =	simm.s32 $_size__tile_overlayer_lowered;
	s7 =	simm.s32 $_tile_overlayer_lowered  }
0x9f: {  	s21 =	simm.s32 $0x1BFF;
	s20 =	sshll.u32 s7, $0x1;
	s4 =	sadd.s32 s5, s18  }
0xa0: {  	s8 =	simm.s32 $0x0;
	s19 =	sshll.u32 s6, $0x1;
	s6 =	sadd.s32 s20, s4  }
0xa1: {  	[timem:s8], [sflag:s21] =	dma.local [hbm:s6], s19  }
0xa2: {  	_ =	swait.ge [sflag:s21], s19  }
0xa3: {  	s5 =	ssub.s32 $0x0, s19;
	[sflag:s21] =	ssyncset.done $0x0  }
0xa4: {  	[sflag:s21] =	ssyncadd.s32 s5;
	_ =	sdelay $0x1  }
0xa5: {  	s22 =	simm.s32 $0x1B8B  }
0xa6: {  	_ =	swait.ge [sflag:s22], $0x1  }
0xa7: {  	[sflag:s22] =	ssyncset.done $0x0  }
0xa8: {  	s23 =	simm.s32 $0x1B8E;
	[sflag:s22] =	ssyncadd.s32 $0xFFFFFFFF  }
0xa9: {  	s24 =	simm.s32 $execute0_lowered;
	[smem:$0x3FD2] =	sst s23  }
0xaa: {  	s5 =	sshll.u32 s24, $0x1;
	_ =	strace $0x80000046;
	[dreg:$0x1] =	wrdreg $0xFFFFFFFF  }
0xab: {  	s25 =	simm.s32 $_size_execute0_lowered;
	s4 =	sadd.s32 s4, s5;
	[dreg:$0x0] =	wrdreg $0x0  }
0xac: {  	s5 =	sshll.u32 s25, $0x1;
	[dreg:$0x2] =	wrdreg s4  }
0xad: {  	[dreg:$0x3] =	wrdreg s5  }
0xae: {  	[dreg:$0x4] =	wrdreg $0xC0  }
0xaf: {  	_ =	task [dreg:s8], $0x5FFFF  }
0xb0: {  	[dreg:$0x1] =	wrdreg $0xFFFFFFFF  }
0xb1: {  	[dreg:$0x0] =	wrdreg $0x60  }
0xb2: {  	[dreg:$0x2] =	wrdreg s14  }
0xb3: {  	[dreg:$0x3] =	wrdreg s2  }
0xb4: {  	[dreg:$0x4] =	wrdreg s15  }
0xb5: {  	[dreg:$0x5] =	wrdreg s16  }
0xb6: {  	[dreg:$0x6] =	wrdreg $0x9  }
0xb7: {  	_ =	task.clear_ibuf [dreg:s8], $0x7FFFF;
	_ =	strace $0x90000046  }
0xb8: {  	s26 =	simm.s32 $0x9;
	_ =	strace $0x80000048  }
0xb9: {  	_ =	swait.ge [sflag:s26], $0x1  }
0xba: {  	[sflag:s26] =	ssyncadd.s32 $0xFFFFFFFF  }
0xbb: {  	_ =	strace $0x90000048  }
0xbc: {  	_ =	sfence  }
0xbd: {  	s28 =	sld [smem:$0x0];
	_ =	sdelay $0x1  }
0xbe: {  	s29 =	srdreg.scid  }
0xbf: {  	s30 =	sshll.u32 s29, $0xD;
	s31 =	sshrl.u32 s29, $0x2  }
0xc0: {  	s1 =	sand.u32 $0x1, s29;
	s2 =	sand.u32 $0x4000, s30;
	s0 =	sadd.s32 s31, s28  }
0xc1: {  	s1 =	sor.u32 s2, s1;
	s0 =	sshll.u32 s0, $0x11  }
0xc2: {  	s0 =	sor.u32 s0, s1  }
0xc3: {  	s0 =	sadd.s32 $0x8F2B, s0  }
0xc4: {  	[sflag:s0] =	ssyncadd.remote.s32 $0x1  }
0xc5: {  	_ =	sfence.sel $0xFFFF  }
0xc6: {  	[dreg:$0x0] =	wrdreg $0xFFFFFFFF;
	(pc) =	sbr.abs _section_cstart, $3  }
0xc7: {  	[dreg:$0x1] =	wrdreg $0xFFFFFFFF  }
0xc8: {  	_ =	task.clear_ibuf [dreg:s8], $0x2FFFF;
	_ =	strace $0x9FFFFFFF  }
0xc9: {  	(tm) =	ssettm $0x7FFFFFFF  }
tec
execute0_lowered:
.L_overlay_start_1:
0x0: {  	(tag) =	ssettag $0x1  }
0x1: {  	s5 =	rddreg [dreg:$0x0]  }
0x2: {  	s6 =	rddreg [dreg:$0x1]  }
0x3: {  	s3 =	rddreg [dreg:$0x2]  }
0x4: {  	s2 =	rddreg [dreg:$0x3]  }
0x5: {  	s1 =	stileid.u32;
	s0 =	rddreg [dreg:$0x4];
	s4 =	simm.s32 $0x0  }
0x6: {  	s28 =	simm.s32 $0x80;
	s7 =	sshll.u32 s1, $0xA;
	[smem:$0x7FF] =	sst s4  }
0x7: {  	s29 =	simm.s32 $0x400;
	s5 =	sadd.s32 s7, s5;
	_ =	strace $0x80000047  }
0x8: {  	[tilespmem:s4], [sflag:$0x1] =	stream.linear.gather [hbm4b:s6+s4], $0x3E8, $0x38;
	[tilespmem:$0xFE8] =	vst v63  }
0x9: {  	s8 =	simm.s32 $0x3E8;
	s30 =	simm.s32 $0x1;
	s5 =	sadd.s32 $0x70, s5  }
0xa: {  	[tilespmem:s8], [sflag:$0x2] =	stream.strided.gather [hbm4b:s5+s28], $0x400, s29, s28, $0x38;
	[tilespmem:$0xFE8] =	vst v63  }
0xb: {  	_ =	swait.ge [sflag:s30], $0x3E8  }
0xc: {  	[sflag:s30] =	ssyncset.done $0x0  }
0xd: {  	s31 =	simm.s32 $0x2;
	[sflag:s30] =	ssyncadd.s32 $0xFFFFFC18  }
0xe: {  	_ =	swait.ge [sflag:s31], $0x400  }
0xf: {  	[sflag:s31] =	ssyncset.done $0x0  }
0x10: {  	s5 =	simm.s32 $0x0;
	[sflag:s31] =	ssyncadd.s32 $0xFFFFFC00  }
0x11: {  	v0 =	vld [tilespmem:s5+$0x3E8];
	_ =	sdelay $0x4  }
0x12: {  	v0 =	vtrunc.f32 v0  }
0x13: {  	v0 =	vcvt.f32.s32 v0;
	_ =	sdelay $0x3  }
0x14: {  	v1 =	vld [tilespmem:s5+$0x3F8];
	_ =	sdelay $0x1  }
0x15: {  	v0 =	vld.idx.msk [tilespmem:v0+s4+$0x0], $0xffff;
	_ =	sdelay $0x2  }
0x16: {  	v1 =	vtrunc.f32 v1  }
0x17: {  	v1 =	vcvt.f32.s32 v1  }
0x18: {  	v2 =	vmul.f32 v0, v0;
	_ =	sdelay $0x1  }
0x19: {  	v2 =	vsub.f32 v0, v2  }
0x1a: {  	[tilespmem:s5+$0x7E8] =	vst v0;
	v0 =	vld [tilespmem:s5+$0x408]  }
0x1b: {  	[tilespmem:s5+$0xBE8] =	vst v2  }
0x1c: {  	v1 =	vld.idx.msk [tilespmem:v1+s4+$0x0], $0xffff;
	_ =	sdelay $0x2  }
0x1d: {  	v0 =	vtrunc.f32 v0  }
0x1e: {  	v0 =	vcvt.f32.s32 v0  }
0x1f: {  	v2 =	vmul.f32 v1, v1;
	_ =	sdelay $0x1  }
0x20: {  	v2 =	vsub.f32 v1, v2  }
0x21: {  	[tilespmem:s5+$0x7F8] =	vst v1;
	v1 =	vld [tilespmem:s5+$0x418]  }
0x22: {  	[tilespmem:s5+$0xBF8] =	vst v2  }
0x23: {  	v0 =	vld.idx.msk [tilespmem:v0+s4+$0x0], $0xffff;
	_ =	sdelay $0x2  }
0x24: {  	v1 =	vtrunc.f32 v1  }
0x25: {  	v1 =	vcvt.f32.s32 v1  }
0x26: {  	v2 =	vmul.f32 v0, v0;
	_ =	sdelay $0x1  }
0x27: {  	v2 =	vsub.f32 v0, v2  }
0x28: {  	[tilespmem:s5+$0x808] =	vst v0;
	v0 =	vld [tilespmem:s5+$0x428]  }
0x29: {  	[tilespmem:s5+$0xC08] =	vst v2  }
0x2a: {  	v1 =	vld.idx.msk [tilespmem:v1+s4+$0x0], $0xffff;
	_ =	sdelay $0x2  }
0x2b: {  	v0 =	vtrunc.f32 v0  }
0x2c: {  	v0 =	vcvt.f32.s32 v0  }
0x2d: {  	v2 =	vmul.f32 v1, v1;
	_ =	sdelay $0x1  }
0x2e: {  	v2 =	vsub.f32 v1, v2  }
0x2f: {  	[tilespmem:s5+$0x818] =	vst v1;
	v1 =	vld [tilespmem:s5+$0x438]  }
0x30: {  	[tilespmem:s5+$0xC18] =	vst v2  }
0x31: {  	v0 =	vld.idx.msk [tilespmem:v0+s4+$0x0], $0xffff;
	_ =	sdelay $0x2  }
0x32: {  	v1 =	vtrunc.f32 v1  }
0x33: {  	v1 =	vcvt.f32.s32 v1  }
0x34: {  	v2 =	vmul.f32 v0, v0;
	_ =	sdelay $0x1  }
0x35: {  	v2 =	vsub.f32 v0, v2  }
0x36: {  	[tilespmem:s5+$0x828] =	vst v0;
	v0 =	vld [tilespmem:s5+$0x448]  }
0x37: {  	[tilespmem:s5+$0xC28] =	vst v2  }
0x38: {  	v1 =	vld.idx.msk [tilespmem:v1+s4+$0x0], $0xffff;
	_ =	sdelay $0x2  }
0x39: {  	v0 =	vtrunc.f32 v0  }
0x3a: {  	v0 =	vcvt.f32.s32 v0  }
0x3b: {  	v2 =	vmul.f32 v1, v1;
	_ =	sdelay $0x1  }
0x3c: {  	v2 =	vsub.f32 v1, v2  }
0x3d: {  	[tilespmem:s5+$0x838] =	vst v1  }
0x3e: {  	[tilespmem:s5+$0xC38] =	vst v2  }
0x3f: {  	v2 =	vld.idx.msk [tilespmem:v0+s4+$0x0], $0xffff  }
0x40: {  	v0 =	vld [tilespmem:s5+$0x458];
	_ =	sdelay $0x4  }
0x41: {  	v0 =	vtrunc.f32 v0  }
0x42: {  	v0 =	vcvt.f32.s32 v0  }
0x43: {  	v1 =	vmul.f32 v2, v2;
	_ =	sdelay $0x1  }
0x44: {  	v1 =	vsub.f32 v2, v1  }
0x45: {  	s7 =	simm.s32 $0x80;
	s6 =	simm.s32 $0x400;
	[tilespmem:s5+$0x848] =	vst v2  }
.LBB2_1:
0x46: {  	p0 =	sne.s32 s6, $0xE00;
	v2 =	vld [tilespmem:s7+$0x3E8];
	[tilespmem:s5+$0xC48] =	vst v1  }
0x47: {  	v0 =	vld.idx.msk [tilespmem:v0+s4+$0x0], $0xffff;
	_ =	sdelay $0x3  }
0x48: {  	v1 =	vtrunc.f32 v2  }
0x49: {  	v1 =	vcvt.f32.s32 v1  }
0x4a: {  	v2 =	vmul.f32 v0, v0;
	[tilespmem:s5+$0x858] =	vst v0;
	_ =	sdelay $0x1  }
0x4b: {  	v0 =	vsub.f32 v0, v2;
	_ =	sdelay $0x1  }
0x4c: {  	v2 =	vld [tilespmem:s7+$0x3F8];
	[tilespmem:s5+$0xC58] =	vst v0;
	s5 =	smov.u32 s7  }
0x4d: {  	v0 =	vld.idx.msk [tilespmem:v1+s4+$0x0], $0xffff;
	_ =	sdelay $0x3  }
0x4e: {  	v1 =	vtrunc.f32 v2  }
0x4f: {  	v1 =	vcvt.f32.s32 v1  }
0x50: {  	v2 =	vmul.f32 v0, v0;
	[tilespmem:s5+$0x7E8] =	vst v0;
	_ =	sdelay $0x1  }
0x51: {  	v0 =	vsub.f32 v0, v2;
	_ =	sdelay $0x1  }
0x52: {  	[tilespmem:s5+$0xBE8] =	vst v0;
	v0 =	vld [tilespmem:s5+$0x408]  }
0x53: {  	v1 =	vld.idx.msk [tilespmem:v1+s4+$0x0], $0xffff;
	_ =	sdelay $0x3  }
0x54: {  	v0 =	vtrunc.f32 v0  }
0x55: {  	v0 =	vcvt.f32.s32 v0  }
0x56: {  	v2 =	vmul.f32 v1, v1;
	[tilespmem:s5+$0x7F8] =	vst v1;
	_ =	sdelay $0x1  }
0x57: {  	v1 =	vsub.f32 v1, v2;
	_ =	sdelay $0x1  }
0x58: {  	[tilespmem:s5+$0xBF8] =	vst v1;
	v1 =	vld [tilespmem:s5+$0x418]  }
0x59: {  	v0 =	vld.idx.msk [tilespmem:v0+s4+$0x0], $0xffff;
	_ =	sdelay $0x3  }
0x5a: {  	v1 =	vtrunc.f32 v1  }
0x5b: {  	v1 =	vcvt.f32.s32 v1  }
0x5c: {  	v2 =	vmul.f32 v0, v0;
	_ =	sdelay $0x1  }
0x5d: {  	v2 =	vsub.f32 v0, v2  }
0x5e: {  	[tilespmem:s5+$0x808] =	vst v0  }
0x5f: {  	[tilespmem:s5+$0xC08] =	vst v2;
	v0 =	vld [tilespmem:s5+$0x428]  }
0x60: {  	v1 =	vld.idx.msk [tilespmem:v1+s4+$0x0], $0xffff;
	_ =	sdelay $0x3  }
0x61: {  	v0 =	vtrunc.f32 v0  }
0x62: {  	v0 =	vcvt.f32.s32 v0  }
0x63: {  	v2 =	vmul.f32 v1, v1;
	_ =	sdelay $0x1  }
0x64: {  	v2 =	vsub.f32 v1, v2  }
0x65: {  	[tilespmem:s5+$0x818] =	vst v1  }
0x66: {  	[tilespmem:s5+$0xC18] =	vst v2;
	v1 =	vld [tilespmem:s5+$0x438]  }
0x67: {  	v0 =	vld.idx.msk [tilespmem:v0+s4+$0x0], $0xffff;
	_ =	sdelay $0x3  }
0x68: {  	v1 =	vtrunc.f32 v1  }
0x69: {  	v1 =	vcvt.f32.s32 v1  }
0x6a: {  	v2 =	vmul.f32 v0, v0;
	_ =	sdelay $0x1  }
0x6b: {  	v2 =	vsub.f32 v0, v2  }
0x6c: {  	[tilespmem:s5+$0x828] =	vst v0  }
0x6d: {  	[tilespmem:s5+$0xC28] =	vst v2;
	v0 =	vld [tilespmem:s5+$0x448]  }
0x6e: {  	v1 =	vld.idx.msk [tilespmem:v1+s4+$0x0], $0xffff;
	_ =	sdelay $0x3  }
0x6f: {  	v0 =	vtrunc.f32 v0  }
0x70: {  	v0 =	vcvt.f32.s32 v0  }
0x71: {  	v2 =	vmul.f32 v1, v1;
	_ =	sdelay $0x1  }
0x72: {  	v2 =	vsub.f32 v1, v2  }
0x73: {  	[tilespmem:s5+$0x838] =	vst v1  }
0x74: {  	[tilespmem:s5+$0xC38] =	vst v2;
	v1 =	vld [tilespmem:s5+$0x458]  }
0x75: {  	v2 =	vld.idx.msk [tilespmem:v0+s4+$0x0], $0xffff;
	_ =	sdelay $0x3  }
0x76: {  	v0 =	vtrunc.f32 v1  }
.Ltmp0:
0x77: {  	v0 =	vcvt.f32.s32 v0;
	(pc) =	sbr.rel @p0 .LBB2_1-.Ltmp0, $3  }
0x78: {  	v1 =	vmul.f32 v2, v2;
	_ =	sdelay $0x1  }
0x79: {  	v1 =	vsub.f32 v2, v1  }
0x7a: {  	s7 =	sshra.s32 s6, $0x2;
	s6 =	sadd.s32 $0x200, s6;
	[tilespmem:s5+$0x848] =	vst v2  }
0x7b: {  	_ =	sdelay $0x1  }
0x7c: {  	v2 =	vld [tilespmem:s7+$0x3E8]  }
0x7d: {  	[tilespmem:s5+$0xC48] =	vst v1  }
0x7e: {  	v0 =	vld.idx.msk [tilespmem:v0+s4+$0x0], $0xffff;
	_ =	sdelay $0x2  }
0x7f: {  	v47 =	vtrunc.f32 v2  }
0x80: {  	v1 =	vcvt.f32.s32 v47  }
0x81: {  	v48 =	vmul.f32 v0, v0;
	_ =	sdelay $0x1  }
0x82: {  	[tilespmem:s5+$0x858] =	vst v0;
	v0 =	vsub.f32 v0, v48  }
0x83: {  	v49 =	vld [tilespmem:s7+$0x3F8]  }
0x84: {  	[tilespmem:s5+$0xC58] =	vst v0  }
0x85: {  	v0 =	vld.idx.msk [tilespmem:v1+s4+$0x0], $0xffff;
	_ =	sdelay $0x2  }
0x86: {  	v50 =	vtrunc.f32 v49  }
0x87: {  	v1 =	vcvt.f32.s32 v50  }
0x88: {  	v51 =	vmul.f32 v0, v0;
	_ =	sdelay $0x1  }
0x89: {  	v2 =	vsub.f32 v0, v51  }
0x8a: {  	v52 =	vld [tilespmem:s7+$0x408];
	[tilespmem:s7+$0x7E8] =	vst v0  }
0x8b: {  	[tilespmem:s7+$0xBE8] =	vst v2  }
0x8c: {  	v1 =	vld.idx.msk [tilespmem:v1+s4+$0x0], $0xffff;
	_ =	sdelay $0x2  }
0x8d: {  	v0 =	vtrunc.f32 v52  }
0x8e: {  	v0 =	vcvt.f32.s32 v0  }
0x8f: {  	v53 =	vmul.f32 v1, v1;
	_ =	sdelay $0x1  }
0x90: {  	v2 =	vsub.f32 v1, v53  }
0x91: {  	v54 =	vld [tilespmem:s7+$0x418];
	[tilespmem:s7+$0x7F8] =	vst v1  }
0x92: {  	[tilespmem:s7+$0xBF8] =	vst v2  }
0x93: {  	v0 =	vld.idx.msk [tilespmem:v0+s4+$0x0], $0xffff;
	_ =	sdelay $0x2  }
0x94: {  	v1 =	vtrunc.f32 v54  }
0x95: {  	v1 =	vcvt.f32.s32 v1  }
0x96: {  	v55 =	vmul.f32 v0, v0;
	_ =	sdelay $0x1  }
0x97: {  	v2 =	vsub.f32 v0, v55  }
0x98: {  	v56 =	vld [tilespmem:s7+$0x428];
	[tilespmem:s7+$0x808] =	vst v0  }
0x99: {  	[tilespmem:s7+$0xC08] =	vst v2  }
0x9a: {  	v1 =	vld.idx.msk [tilespmem:v1+s4+$0x0], $0xffff;
	_ =	sdelay $0x2  }
0x9b: {  	v0 =	vtrunc.f32 v56  }
0x9c: {  	v0 =	vcvt.f32.s32 v0  }
0x9d: {  	v57 =	vmul.f32 v1, v1;
	_ =	sdelay $0x1  }
0x9e: {  	v2 =	vsub.f32 v1, v57  }
0x9f: {  	v58 =	vld [tilespmem:s7+$0x438];
	[tilespmem:s7+$0x818] =	vst v1  }
0xa0: {  	[tilespmem:s7+$0xC18] =	vst v2  }
0xa1: {  	v0 =	vld.idx.msk [tilespmem:v0+s4+$0x0], $0xffff;
	_ =	sdelay $0x2  }
0xa2: {  	v1 =	vtrunc.f32 v58  }
0xa3: {  	v1 =	vcvt.f32.s32 v1  }
0xa4: {  	v59 =	vmul.f32 v0, v0;
	_ =	sdelay $0x1  }
0xa5: {  	v2 =	vsub.f32 v0, v59  }
0xa6: {  	v60 =	vld [tilespmem:s7+$0x448];
	[tilespmem:s7+$0x828] =	vst v0  }
0xa7: {  	[tilespmem:s7+$0xC28] =	vst v2  }
0xa8: {  	v1 =	vld.idx.msk [tilespmem:v1+s4+$0x0], $0xffff;
	_ =	sdelay $0x2  }
0xa9: {  	v0 =	vtrunc.f32 v60  }
0xaa: {  	v0 =	vcvt.f32.s32 v0  }
0xab: {  	v61 =	vmul.f32 v1, v1;
	_ =	sdelay $0x1  }
0xac: {  	v2 =	vsub.f32 v1, v61  }
0xad: {  	v62 =	vld [tilespmem:s7+$0x458];
	[tilespmem:s7+$0x838] =	vst v1  }
0xae: {  	[tilespmem:s7+$0xC38] =	vst v2  }
0xaf: {  	v0 =	vld.idx.msk [tilespmem:v0+s4+$0x0], $0xffff;
	_ =	sdelay $0x2  }
0xb0: {  	v1 =	vtrunc.f32 v62  }
0xb1: {  	v1 =	vcvt.f32.s32 v1  }
0xb2: {  	v63 =	vmul.f32 v0, v0;
	_ =	sdelay $0x1  }
0xb3: {  	v2 =	vsub.f32 v0, v63  }
0xb4: {  	[tilespmem:s7+$0x848] =	vst v0  }
0xb5: {  	[tilespmem:s7+$0xC48] =	vst v2  }
0xb6: {  	v0 =	vld.idx.msk [tilespmem:v1+s4+$0x0], $0xffff;
	_ =	sdelay $0x4  }
0xb7: {  	v1 =	vmul.f32 v0, v0;
	_ =	sdelay $0x1  }
0xb8: {  	v1 =	vsub.f32 v0, v1  }
0xb9: {  	s26 =	sshll.u32 s1, $0x7;
	[tilespmem:s7+$0x858] =	vst v0  }
0xba: {  	s28 =	simm.s32 $0x0;
	s6 =	simm.s32 $0x7E8;
	s3 =	sadd.s32 s3, s26;
	[tilespmem:s7+$0xC58] =	vst v1  }
0xbb: {  	[hbm4b:s3+s28] =	stream.linear.scatter [tilespmem:s6], [sflag:$0x1], $0x400, $0x38;
	[tilespmem:$0xFE8] =	vst v63  }
0xbc: {  	s29 =	simm.s32 $0xBE8;
	s30 =	simm.s32 $0x1;
	s2 =	sadd.s32 s2, s26  }
0xbd: {  	[hbm4b:s2+s28] =	stream.linear.scatter [tilespmem:s29], [sflag:$0x2], $0x400, $0x38;
	[tilespmem:$0xFE8] =	vst v63  }
0xbe: {  	_ =	swait.ge [sflag:s30], $0x400  }
0xbf: {  	[sflag:s30] =	ssyncset.done $0x0  }
0xc0: {  	s31 =	simm.s32 $0x2;
	[sflag:s30] =	ssyncadd.s32 $0xFFFFFC00  }
0xc1: {  	_ =	swait.ge [sflag:s31], $0x400  }
0xc2: {  	[sflag:s31] =	ssyncset.done $0x0  }
0xc3: {  	[sflag:s31] =	ssyncadd.s32 $0xFFFFFC00  }
0xc4: {  	_ =	sfence.sel $0x180000  }
0xc5: {  	[bflag:$0x0] =	sbarrier.arrive $0xFFFF  }
0xc6: {  	p0 =	sne.s32 s1, $0x0;
	_ =	strace $0x90000047  }
0xc7: {  	s0 =	sadd.s32 @!p0 $0x100000, s0;
	[bflag:$0x2] =	sbarrier.arrive $0xFFFF  }
0xc8: {  	[sflag:s0] =	ssyncadd.tile.s32 @!p0 $0x1;
	_ =	shalt  }
.Lfunc_end2:
_tile_overlayer_lowered:
.L_overlay_start_2:
0xc9: {  	(tag) =	ssettag $0x2  }
0xca: {  	s0 =	rddreg [dreg:$0x0];
	s2 =	stileid.u32  }
0xcb: {  	s1 =	rddreg [dreg:$0x1];
	p0 =	sne.s32 s2, $0x0  }
0xcc: {  	s3 =	rddreg [dreg:$0x2];
	[bflag:$0x3] =	sbarrier.arrive $0xFFFF;
	s2 =	simm.s32 @!p0 $0x1C03  }
0xcd: {  	[timem:s3], [sflag:s2] =	dma.local @!p0 [hbm:s0], s1  }
0xce: {  	s0 =	simm.s32 @!p0 $0x3  }
0xcf: {  	_ =	swait.ge @!p0 [sflag:s0], s1  }
0xd0: {  	s1 =	ssub.s32 @!p0 $0x0, s1;
	[sflag:s0] =	ssyncset.done @!p0 $0x0  }
0xd1: {  	[sflag:s0] =	ssyncadd.s32 @!p0 s1  }
0xd2: {  	[bflag:$0x3] =	sbarrier.arrive $0xFFFF  }
0xd3: {  	_ =	shalt  }

</sc_bundles>
